<compile_context>
chip_gen: v7x
topology: tpu7x:2x2x1
jax: 0.10.2.dev20260603
libtpu: 0.0.44.dev20260713+nightly
codegen_flags: <defaults>
</compile_context>

<pallas_src>
import jax
import jax.numpy as jnp
from jax import lax
from jax.experimental import pallas as pl
from jax.experimental.pallas import tpu as pltpu
from jax.experimental.pallas import tpu_sc as plsc

KERNEL_SIZE = 1024
MAX_DEPTH = 17
N_POINTS = 524288
D_FEAT = 64
SCALE = float(2 ** MAX_DEPTH)

_NC = 2
_NS = 16
_NW = _NC * _NS
_CHUNK = N_POINTS // _NW
_LANES = 16


def _sc_gather_body(pxy_hbm, w_hbm, b_hbm, wout_hbm, bout_hbm,
                    pxy_v, wo_v, bo_v, wt_v, bt_v):
    wid = lax.axis_index("s") * _NC + lax.axis_index("c")
    base = wid * _CHUNK
    pltpu.sync_copy(w_hbm, wt_v)
    pltpu.sync_copy(b_hbm, bt_v)
    pltpu.sync_copy(pxy_hbm.at[pl.ds(2 * base, 2 * _CHUNK)], pxy_v)

    @plsc.parallel_loop(0, _CHUNK, step=_LANES, unroll=16)
    def body(o):
        goff = (o >> 7) * 256 + (o & 127)
        px = pxy_v[pl.ds(goff, _LANES)]
        py = pxy_v[pl.ds(goff + 128, _LANES)]
        fx = jnp.minimum(jnp.maximum(px * SCALE, 0.0), SCALE - 1.0)
        fy = jnp.minimum(jnp.maximum(py * SCALE, 0.0), SCALE - 1.0)
        ix = fx.astype(jnp.int32)
        iy = fy.astype(jnp.int32)
        bucket = ((ix & (KERNEL_SIZE - 1)) * 31 + iy) & (KERNEL_SIZE - 1)
        wo_v[pl.ds(o, _LANES)] = plsc.load_gather(wt_v, [bucket])
        bo_v[pl.ds(o, _LANES)] = plsc.load_gather(bt_v, [bucket])

    pltpu.sync_copy(wo_v, wout_hbm.at[pl.ds(base, _CHUNK)])
    pltpu.sync_copy(bo_v, bout_hbm.at[pl.ds(base, _CHUNK)])


def _sc_gather(pxy, weight, bias):
    mesh = plsc.VectorSubcoreMesh(core_axis_name="c", subcore_axis_name="s")
    fn = pl.kernel(
        _sc_gather_body,
        mesh=mesh,
        compiler_params=pltpu.CompilerParams(needs_layout_passes=False),
        out_type=[
            jax.ShapeDtypeStruct((N_POINTS,), jnp.float32),
            jax.ShapeDtypeStruct((N_POINTS,), jnp.float32),
        ],
        scratch_types=[
            pltpu.VMEM((2 * _CHUNK,), jnp.float32),
            pltpu.VMEM((_CHUNK,), jnp.float32),
            pltpu.VMEM((_CHUNK,), jnp.float32),
            pltpu.VMEM((KERNEL_SIZE,), jnp.float32),
            pltpu.VMEM((KERNEL_SIZE,), jnp.float32),
        ],
    )
    return fn(pxy, weight, bias)


def _affine_body(x_ref, w_ref, b_ref, o_ref):
    w = w_ref[...][None, :]
    b = b_ref[...][None, :]
    o_ref[...] = w * x_ref[...] + b


def _affine_t(xt, w, b):
    bn = 32768
    grid = (N_POINTS // bn,)
    return pl.pallas_call(
        _affine_body,
        grid=grid,
        in_specs=[
            pl.BlockSpec((D_FEAT, bn), lambda i: (0, i)),
            pl.BlockSpec((bn,), lambda i: (i,)),
            pl.BlockSpec((bn,), lambda i: (i,)),
        ],
        out_specs=pl.BlockSpec((D_FEAT, bn), lambda i: (0, i)),
        out_shape=jax.ShapeDtypeStruct((D_FEAT, N_POINTS), jnp.float32),
    )(xt, w, b)


def kernel(input, x, weight, bias):
    pxy = input.reshape(N_POINTS // 128, 128, 2).transpose(0, 2, 1).reshape(
        2 * N_POINTS)
    w_pts, b_pts = _sc_gather(pxy, weight, bias)
    out_t = _affine_t(x.T, w_pts, b_pts)
    return out_t.T

# --- scband reference (transcript-rebuilt; emitter-appended) ---
"""Pipeline reference for scband-quad-pool2d-24893630447776 (READ-ONLY COPY).

The authoritative reference and input builder live on the scoring server;
editing this copy changes nothing except your own understanding.
"""

import jax, jax.numpy as jnp
import numpy as np

KERNEL_SIZE = 1024
EXTERIOR = (0.0, 0.0, 1.0, 1.0)
MAX_DEPTH = 17
N_POINTS = 524288
D_FEAT = 64


def setup_inputs(seed: int = 0) -> dict:
    key = jax.random.key(seed)
    k1, k2 = jax.random.split(key, 2)
    # 2D point coordinates inside the exterior bounding box
    inp = jax.random.uniform(k1, (N_POINTS, 2), dtype=jnp.float32)
    x = jax.random.normal(k2, (N_POINTS, D_FEAT), dtype=jnp.float32)
    # learned per-bucket affine parameters (init per reset_parameters)
    weight = jnp.ones((KERNEL_SIZE,), dtype=jnp.float32)
    bias = jnp.zeros((KERNEL_SIZE,), dtype=jnp.float32)
    return {"input": inp, "x": x, "weight": weight, "bias": bias}


def _quad_bucket(points):
    # Quantize points into quadtree cells at max_depth, then hash cell id
    # into one of kernel_size parameter buckets (inference-mode quad_pool2d).
    x0, y0, x1, y1 = EXTERIOR
    scale = float(2 ** MAX_DEPTH)
    px = (points[:, 0] - x0) / (x1 - x0)
    py = (points[:, 1] - y0) / (y1 - y0)
    ix = jnp.clip(jnp.floor(px * scale), 0.0, scale - 1.0).astype(jnp.int32)
    iy = jnp.clip(jnp.floor(py * scale), 0.0, scale - 1.0).astype(jnp.int32)
    bucket = ((ix % KERNEL_SIZE) * 31 + iy) % KERNEL_SIZE
    return bucket


def reference(input, x, weight, bias):
    # F.quad_pool2d (eval mode): assign each point to a quadtree tile, gather
    # that tile's affine parameters, then apply result.weight * x + result.bias
    bucket = _quad_bucket(input)
    w = jnp.take(weight, bucket, axis=0)  # [N]
    b = jnp.take(bias, bucket, axis=0)    # [N]
    return w[:, None] * x + b[:, None]

if __name__ == "__main__":
    import jax
    _d = setup_inputs()
    print(jax.jit(kernel)(*tuple(_d.values())))

</pallas_src>

<mosaic_0001>
#map = affine_map<(d0, d1) -> (0)>
module attributes {stable_mosaic.version = 14 : i64} {
  func.func @_sc_gather_body(%arg0: i32, %arg1: i32, %arg2: memref<1048576xf32, #tpu.memory_space<hbm>>, %arg3: memref<1024xf32, #tpu.memory_space<hbm>>, %arg4: memref<1024xf32, #tpu.memory_space<hbm>>, %arg5: memref<524288xf32, #tpu.memory_space<hbm>>, %arg6: memref<524288xf32, #tpu.memory_space<hbm>>, %arg7: memref<32768xf32, #tpu.memory_space<vmem>>, %arg8: memref<16384xf32, #tpu.memory_space<vmem>>, %arg9: memref<16384xf32, #tpu.memory_space<vmem>>, %arg10: memref<1024xf32, #tpu.memory_space<vmem>>, %arg11: memref<1024xf32, #tpu.memory_space<vmem>>) attributes {dimension_semantics = [#tpu.dimension_semantics<core_parallel>, #tpu.dimension_semantics<subcore_parallel>], iteration_bounds = array<i64: 2, 16>, scalar_prefetch = 0 : i64, scratch_operands = 5 : i64, tpu.core_type = #tpu.core_type<sc_vector_subcore>, window_params = [{transform_indices = #map}, {transform_indices = #map}, {transform_indices = #map}, {transform_indices = #map}, {transform_indices = #map}]} {
    %mul3A = arith.constant 2 : i32
    %mul3A_0 = arith.muli %arg1, %mul3A : i32
    %add3A = arith.addi %mul3A_0, %arg0 : i32
    %mul3A_1 = arith.constant 16384 : i32
    %mul3A_2 = arith.muli %add3A, %mul3A_1 : i32
    "tpu.region"() ({
      %run_scoped3A = tpu.sem_alloc : memref<!tpu.dma_semaphore, #tpu.memory_space<semaphore_mem>>
      tpu.enqueue_dma source(%arg3 : memref<1024xf32, #tpu.memory_space<hbm>>) target(%arg10 : memref<1024xf32, #tpu.memory_space<vmem>>) target_semaphore(%run_scoped3A : memref<!tpu.dma_semaphore, #tpu.memory_space<semaphore_mem>>)
      tpu.wait_dma2 semaphore(%run_scoped3A : memref<!tpu.dma_semaphore, #tpu.memory_space<semaphore_mem>>) src(%arg3 : memref<1024xf32, #tpu.memory_space<hbm>>) dst(%arg10 : memref<1024xf32, #tpu.memory_space<vmem>>)
      tpu.yield
    }) : () -> ()
    "tpu.region"() ({
      %run_scoped3A = tpu.sem_alloc : memref<!tpu.dma_semaphore, #tpu.memory_space<semaphore_mem>>
      tpu.enqueue_dma source(%arg4 : memref<1024xf32, #tpu.memory_space<hbm>>) target(%arg11 : memref<1024xf32, #tpu.memory_space<vmem>>) target_semaphore(%run_scoped3A : memref<!tpu.dma_semaphore, #tpu.memory_space<semaphore_mem>>)
      tpu.wait_dma2 semaphore(%run_scoped3A : memref<!tpu.dma_semaphore, #tpu.memory_space<semaphore_mem>>) src(%arg4 : memref<1024xf32, #tpu.memory_space<hbm>>) dst(%arg11 : memref<1024xf32, #tpu.memory_space<vmem>>)
      tpu.yield
    }) : () -> ()
    %mul3A_3 = arith.constant 2 : i32
    %mul3A_4 = arith.muli %mul3A_3, %mul3A_2 : i32
    "tpu.region"() ({
      %run_scoped3A = tpu.sem_alloc : memref<!tpu.dma_semaphore, #tpu.memory_space<semaphore_mem>>
      %dma_start3A = tpu.memref_slice %arg2[%mul3A_4] : memref<1048576xf32, #tpu.memory_space<hbm>> -> memref<32768xf32, #tpu.memory_space<hbm>>
      %dma_start3A_7 = tpu.memref_slice %arg2[%mul3A_4] : memref<1048576xf32, #tpu.memory_space<hbm>> -> memref<32768xf32, #tpu.memory_space<hbm>>
      tpu.enqueue_dma source(%dma_start3A_7 : memref<32768xf32, #tpu.memory_space<hbm>>) target(%arg7 : memref<32768xf32, #tpu.memory_space<vmem>>) target_semaphore(%run_scoped3A : memref<!tpu.dma_semaphore, #tpu.memory_space<semaphore_mem>>)
      %dma_wait3A = tpu.memref_slice %arg2[%mul3A_4] : memref<1048576xf32, #tpu.memory_space<hbm>> -> memref<32768xf32, #tpu.memory_space<hbm>>
      %dma_wait3A_8 = tpu.memref_slice %arg2[%mul3A_4] : memref<1048576xf32, #tpu.memory_space<hbm>> -> memref<32768xf32, #tpu.memory_space<hbm>>
      tpu.wait_dma2 semaphore(%run_scoped3A : memref<!tpu.dma_semaphore, #tpu.memory_space<semaphore_mem>>) src(%dma_wait3A_8 : memref<32768xf32, #tpu.memory_space<hbm>>) dst(%arg7 : memref<32768xf32, #tpu.memory_space<vmem>>)
      tpu.yield
    }) : () -> ()
    %parallel_loop3A = arith.constant 0 : i32
    %parallel_loop3A_5 = arith.constant 16384 : i32
    %parallel_loop3A_6 = arith.constant 16 : i32
    scf.for %parallel_loop3A_7 = %parallel_loop3A to %parallel_loop3A_5 step %parallel_loop3A_6  : i32 {
      %parallel_loop3A_8 = arith.constant 7 : i32
      %parallel_loop3A_9 = arith.shrsi %parallel_loop3A_7, %parallel_loop3A_8 : i32
      %parallel_loop3A_10 = arith.constant 256 : i32
      %parallel_loop3A_11 = arith.muli %parallel_loop3A_9, %parallel_loop3A_10 : i32
      %parallel_loop3A_12 = arith.constant 127 : i32
      %parallel_loop3A_13 = arith.andi %parallel_loop3A_7, %parallel_loop3A_12 : i32
      %parallel_loop3A_14 = arith.addi %parallel_loop3A_11, %parallel_loop3A_13 : i32
      %parallel_loop3A_15 = arith.index_cast %parallel_loop3A_14 : i32 to index
      %parallel_loop3A_16 = tpu.vector_load %arg7[%parallel_loop3A_15] {strides = array<i32>} : memref<32768xf32, #tpu.memory_space<vmem>>, vector<16xf32>,
      %parallel_loop3A_17 = arith.constant 128 : i32
      %parallel_loop3A_18 = arith.addi %parallel_loop3A_14, %parallel_loop3A_17 : i32
      %parallel_loop3A_19 = arith.index_cast %parallel_loop3A_18 : i32 to index
      %parallel_loop3A_20 = tpu.vector_load %arg7[%parallel_loop3A_19] {strides = array<i32>} : memref<32768xf32, #tpu.memory_space<vmem>>, vector<16xf32>,
      %parallel_loop3A_21 = arith.constant 1.310720e+05 : f32
      %parallel_loop3A_22 = vector.broadcast %parallel_loop3A_21 : f32 to vector<16xf32>
      %parallel_loop3A_23 = arith.mulf %parallel_loop3A_16, %parallel_loop3A_22 : vector<16xf32>
      %parallel_loop3A_24 = arith.constant 0.000000e+00 : f32
      %parallel_loop3A_25 = vector.broadcast %parallel_loop3A_24 : f32 to vector<16xf32>
      %parallel_loop3A_26 = arith.maximumf %parallel_loop3A_23, %parallel_loop3A_25 : vector<16xf32>
      %parallel_loop3A_27 = arith.constant 1.310710e+05 : f32
      %parallel_loop3A_28 = vector.broadcast %parallel_loop3A_27 : f32 to vector<16xf32>
      %parallel_loop3A_29 = arith.minimumf %parallel_loop3A_26, %parallel_loop3A_28 : vector<16xf32>
      %parallel_loop3A_30 = arith.constant 1.310720e+05 : f32
      %parallel_loop3A_31 = vector.broadcast %parallel_loop3A_30 : f32 to vector<16xf32>
      %parallel_loop3A_32 = arith.mulf %parallel_loop3A_20, %parallel_loop3A_31 : vector<16xf32>
      %parallel_loop3A_33 = arith.constant 0.000000e+00 : f32
      %parallel_loop3A_34 = vector.broadcast %parallel_loop3A_33 : f32 to vector<16xf32>
      %parallel_loop3A_35 = arith.maximumf %parallel_loop3A_32, %parallel_loop3A_34 : vector<16xf32>
      %parallel_loop3A_36 = arith.constant 1.310710e+05 : f32
      %parallel_loop3A_37 = vector.broadcast %parallel_loop3A_36 : f32 to vector<16xf32>
      %parallel_loop3A_38 = arith.minimumf %parallel_loop3A_35, %parallel_loop3A_37 : vector<16xf32>
      %parallel_loop3A_39 = arith.fptosi %parallel_loop3A_29 : vector<16xf32> to vector<16xi32>
      %parallel_loop3A_40 = arith.fptosi %parallel_loop3A_38 : vector<16xf32> to vector<16xi32>
      %parallel_loop3A_41 = arith.constant 1023 : i32
      %parallel_loop3A_42 = vector.broadcast %parallel_loop3A_41 : i32 to vector<16xi32>
      %parallel_loop3A_43 = arith.andi %parallel_loop3A_39, %parallel_loop3A_42 : vector<16xi32>
      %parallel_loop3A_44 = arith.constant 31 : i32
      %parallel_loop3A_45 = vector.broadcast %parallel_loop3A_44 : i32 to vector<16xi32>
      %parallel_loop3A_46 = arith.muli %parallel_loop3A_43, %parallel_loop3A_45 : vector<16xi32>
      %parallel_loop3A_47 = arith.addi %parallel_loop3A_46, %parallel_loop3A_40 : vector<16xi32>
      %parallel_loop3A_48 = arith.constant 1023 : i32
      %parallel_loop3A_49 = vector.broadcast %parallel_loop3A_48 : i32 to vector<16xi32>
      %parallel_loop3A_50 = arith.andi %parallel_loop3A_47, %parallel_loop3A_49 : vector<16xi32>
      %parallel_loop3A_51 = tpu.vector_load_idx %arg10[%parallel_loop3A_50] : memref<1024xf32, #tpu.memory_space<vmem>>[vector<16xi32>], vector<16xf32>,
      %parallel_loop3A_52 = arith.index_cast %parallel_loop3A_7 : i32 to index
      %parallel_loop3A_53 = tpu.vector_load %arg8[%parallel_loop3A_52] {strides = array<i32>} : memref<16384xf32, #tpu.memory_space<vmem>>, vector<16xf32>,
      tpu.vector_store %arg8[%parallel_loop3A_52], %parallel_loop3A_51 {strides = array<i32>} : memref<16384xf32, #tpu.memory_space<vmem>>, vector<16xf32>,
      %parallel_loop3A_54 = tpu.vector_load_idx %arg11[%parallel_loop3A_50] : memref<1024xf32, #tpu.memory_space<vmem>>[vector<16xi32>], vector<16xf32>,
      %parallel_loop3A_55 = arith.index_cast %parallel_loop3A_7 : i32 to index
      %parallel_loop3A_56 = tpu.vector_load %arg9[%parallel_loop3A_55] {strides = array<i32>} : memref<16384xf32, #tpu.memory_space<vmem>>, vector<16xf32>,
      tpu.vector_store %arg9[%parallel_loop3A_55], %parallel_loop3A_54 {strides = array<i32>} : memref<16384xf32, #tpu.memory_space<vmem>>, vector<16xf32>,
    } {sc.loop_unroll_factor = 16 : i64, sc.parallel_access}
    "tpu.region"() ({
      %run_scoped3A = tpu.sem_alloc : memref<!tpu.dma_semaphore, #tpu.memory_space<semaphore_mem>>
      %dma_start3A = tpu.memref_slice %arg5[%mul3A_2] : memref<524288xf32, #tpu.memory_space<hbm>> -> memref<16384xf32, #tpu.memory_space<hbm>>
      %dma_start3A_7 = tpu.memref_slice %arg5[%mul3A_2] : memref<524288xf32, #tpu.memory_space<hbm>> -> memref<16384xf32, #tpu.memory_space<hbm>>
      tpu.enqueue_dma source(%arg8 : memref<16384xf32, #tpu.memory_space<vmem>>) target(%dma_start3A_7 : memref<16384xf32, #tpu.memory_space<hbm>>) target_semaphore(%run_scoped3A : memref<!tpu.dma_semaphore, #tpu.memory_space<semaphore_mem>>)
      %dma_wait3A = tpu.memref_slice %arg5[%mul3A_2] : memref<524288xf32, #tpu.memory_space<hbm>> -> memref<16384xf32, #tpu.memory_space<hbm>>
      %dma_wait3A_8 = tpu.memref_slice %arg5[%mul3A_2] : memref<524288xf32, #tpu.memory_space<hbm>> -> memref<16384xf32, #tpu.memory_space<hbm>>
      tpu.wait_dma2 semaphore(%run_scoped3A : memref<!tpu.dma_semaphore, #tpu.memory_space<semaphore_mem>>) src(%arg8 : memref<16384xf32, #tpu.memory_space<vmem>>) dst(%dma_wait3A_8 : memref<16384xf32, #tpu.memory_space<hbm>>)
      tpu.yield
    }) : () -> ()
    "tpu.region"() ({
      %run_scoped3A = tpu.sem_alloc : memref<!tpu.dma_semaphore, #tpu.memory_space<semaphore_mem>>
      %dma_start3A = tpu.memref_slice %arg6[%mul3A_2] : memref<524288xf32, #tpu.memory_space<hbm>> -> memref<16384xf32, #tpu.memory_space<hbm>>
      %dma_start3A_7 = tpu.memref_slice %arg6[%mul3A_2] : memref<524288xf32, #tpu.memory_space<hbm>> -> memref<16384xf32, #tpu.memory_space<hbm>>
      tpu.enqueue_dma source(%arg9 : memref<16384xf32, #tpu.memory_space<vmem>>) target(%dma_start3A_7 : memref<16384xf32, #tpu.memory_space<hbm>>) target_semaphore(%run_scoped3A : memref<!tpu.dma_semaphore, #tpu.memory_space<semaphore_mem>>)
      %dma_wait3A = tpu.memref_slice %arg6[%mul3A_2] : memref<524288xf32, #tpu.memory_space<hbm>> -> memref<16384xf32, #tpu.memory_space<hbm>>
      %dma_wait3A_8 = tpu.memref_slice %arg6[%mul3A_2] : memref<524288xf32, #tpu.memory_space<hbm>> -> memref<16384xf32, #tpu.memory_space<hbm>>
      tpu.wait_dma2 semaphore(%run_scoped3A : memref<!tpu.dma_semaphore, #tpu.memory_space<semaphore_mem>>) src(%arg9 : memref<16384xf32, #tpu.memory_space<vmem>>) dst(%dma_wait3A_8 : memref<16384xf32, #tpu.memory_space<hbm>>)
      tpu.yield
    }) : () -> ()
    return
  }
}

module attributes {stable_mosaic.version = 14 : i64} {
  func.func @_affine_body(%arg0: i32, %arg1: memref<64x32768xf32, #tpu.memory_space<vmem>>, %arg2: memref<32768xf32, #tpu.memory_space<vmem>>, %arg3: memref<32768xf32, #tpu.memory_space<vmem>>, %arg4: memref<64x32768xf32, #tpu.memory_space<vmem>>) attributes {dimension_semantics = [#tpu.dimension_semantics<arbitrary>], iteration_bounds = array<i64: 16>, scalar_prefetch = 0 : i64, scratch_operands = 0 : i64, tpu.core_type = #tpu.core_type<tc>, window_params = [{transform_indices = @transform_0, window_bounds = array<i64: 64, 32768>}, {transform_indices = @transform_1, window_bounds = array<i64: 32768>}, {transform_indices = @transform_2, window_bounds = array<i64: 32768>}, {transform_indices = @transform_3, window_bounds = array<i64: 64, 32768>}]} {
    %get3A = arith.constant 0 : index
    %get3A_0 = vector.load %arg2[%get3A] : memref<32768xf32, #tpu.memory_space<vmem>>, vector<32768xf32>
    %broadcast_in_dim3A = vector.shape_cast %get3A_0 : vector<32768xf32> to vector<1x32768xf32>
    %get3A_1 = arith.constant 0 : index
    %get3A_2 = vector.load %arg3[%get3A_1] : memref<32768xf32, #tpu.memory_space<vmem>>, vector<32768xf32>
    %broadcast_in_dim3A_3 = vector.shape_cast %get3A_2 : vector<32768xf32> to vector<1x32768xf32>
    %get3A_4 = arith.constant 0 : index
    %get3A_5 = arith.constant 0 : index
    %get3A_6 = vector.load %arg1[%get3A_4, %get3A_5] : memref<64x32768xf32, #tpu.memory_space<vmem>>, vector<64x32768xf32>
    %mul3A = vector.broadcast %broadcast_in_dim3A : vector<1x32768xf32> to vector<64x32768xf32>
    %mul3A_7 = arith.mulf %mul3A, %get3A_6 : vector<64x32768xf32>
    %add3A = vector.broadcast %broadcast_in_dim3A_3 : vector<1x32768xf32> to vector<64x32768xf32>
    %add3A_8 = arith.addf %mul3A_7, %add3A : vector<64x32768xf32>
    %swap3A = arith.constant 0 : index
    %swap3A_9 = arith.constant 0 : index
    %swap3A_10 = vector.load %arg4[%swap3A, %swap3A_9] : memref<64x32768xf32, #tpu.memory_space<vmem>>, vector<64x32768xf32>
    tpu.vector_store %arg4[%swap3A, %swap3A_9], %add3A_8 {strides = array<i32>} : memref<64x32768xf32, #tpu.memory_space<vmem>>, vector<64x32768xf32>,
    return
  }
  func.func @transform_0(%arg0: i32) -> (i32, i32) {
    %c0_i32 = arith.constant 0 : i32
    %c0_i32_0 = arith.constant 0 : i32
    return %c0_i32, %arg0 : i32, i32
  }
  func.func @transform_1(%arg0: i32) -> i32 {
    %c0_i32 = arith.constant 0 : i32
    return %arg0 : i32
  }
  func.func @transform_2(%arg0: i32) -> i32 {
    %c0_i32 = arith.constant 0 : i32
    return %arg0 : i32
  }
  func.func @transform_3(%arg0: i32) -> (i32, i32) {
    %c0_i32 = arith.constant 0 : i32
    %c0_i32_0 = arith.constant 0 : i32
    return %c0_i32, %arg0 : i32, i32
  }
}

</mosaic_0001>

<sc_bundles>
// kernel: kernel.4.cloned.1.call-start
scs
__scs_entry_jumppad:
0x0: {  	(pc) =	sbr.rel $0x88, $3  }
0x1: {  	(tag) =	ssettag $0x0;
	lr =	simm.s32 $0x1  }
0x2: {  	[smem:$0x3F9D] =	sst lr;
	_ =	strace $0xD0000000  }
0x3: {  	_ = 	snop  }
0x4: {  	_ = 	snop  }
0x5: {  	_ = 	snop  }
0x6: {  	_ = 	snop  }
0x7: {  	_ = 	snop  }
__scs_overlays_trampoline_lowered:
0x8: {  	[smem:$0x3FAC] =	sst s0  }
0x9: {  	[smem:$0x3FAD] =	sst s1  }
0xa: {  	[smem:$0x3FAE] =	sst s2  }
0xb: {  	[smem:$0x3FAF] =	sst s3  }
0xc: {  	[smem:$0x3FB0] =	sst s4  }
0xd: {  	[smem:$0x3FB1] =	sst s5  }
0xe: {  	[smem:$0x3FB2] =	sst s6  }
0xf: {  	[smem:$0x3FB3] =	sst s7  }
0x10: {  	[smem:$0x3FB4] =	sst s8  }
0x11: {  	[smem:$0x3FB5] =	sst s9;
	s0 =	simm.s32 @!p0 $0x0  }
0x12: {  	s1 =	sld [smem:$0x3F9B];
	s0 =	simm.s32 @p0 $0x1  }
0x13: {  	[smem:$0x3FB6] =	sst s0;
	s0 =	simm.s32 @!p1 $0x0  }
0x14: {  	s2 =	sld [smem:$0x3F9A];
	s0 =	simm.s32 @p1 $0x1  }
0x15: {  	[smem:$0x3FB7] =	sst s0;
	s0 =	simm.s32 @!p2 $0x0  }
0x16: {  	s3 =	sld [smem:$0x3FDB];
	s0 =	simm.s32 @p2 $0x1  }
0x17: {  	s4 =	simm.s32 $0x1BF5;
	[smem:$0x3FB9] =	sst s0  }
0x18: {  	s0 =	sld [smem:$0x3F9C];
	_ =	swait.ge [sflag:s4], $0x0  }
0x19: {  	s7 =	sld [smem:$0x3F9D]  }
0x1a: {  	s8 =	sadd.s32 $0xFFFFE003, lr  }
0x1b: {  	s9 =	sadd.s32 $0xFFFFFEF7, lr;
	s5 =	simm.s32 $0xFFFFFFFF;
	p2 =	slt.u32 s8, $0xFFFFF086  }
0x1c: {  	p1 =	slt.u32 s9, $0xF7A;
	s5 =	simm.s32 @!p2 $0x0  }
0x1d: {  	s5 =	simm.s32 @p1 $0x1;
	p0 =	seq.s32 s7, s2  }
0x1e: {  	s7 =	smul.u32 @!p0 $0xF7A, s2;
	p2 =	seq.s32 @!p0 s5, $0x0  }
0x1f: {  	s9 =	smul.u32 $0xF7A, s1;
	s8 =	simm.s32 @!p0 $0x1BF5;
	p2 =	por !p2, p0  }
0x20: {  	[sflag:s8] =	ssyncset.s32 @!p0 $0xFFFFF086;
	s6 =	sadd.s32 @!p0 s3, s7;
	s7 =	simm.s32 @!p0 $0x108  }
0x21: {  	s3 =	sadd.s32 s3, s9;
	s6 =	sadd.s32 @!p0 $0x88, s6;
	s7 =	simm.s32 @p2 $0x1082  }
0x22: {  	[simem:s7], [sflag:s8] =	dma.local @!p0 [hbm:s6], $0xF7A  }
0x23: {  	s9 =	sor.u32 $0xD0000000, s2;
	s6 =	simm.s32 $0x108;
	_ =	swait.ge @!p0 [sflag:s8], $0x0  }
0x24: {  	s3 =	sadd.s32 $0x88, s3;
	s6 =	simm.s32 @!p1 $0x1082;
	[sflag:s4] =	ssyncset.s32 $0xFFFFF086  }
0x25: {  	[simem:s6], [sflag:s4] =	dma.local [hbm:s3], $0xF7A  }
0x26: {  	[smem:$0x3F9D] =	sst s1;
	(tag) =	ssettag s2;
	_ =	strace s9  }
0x27: {  	s1 =	sld [smem:$0x3FAD]  }
0x28: {  	s2 =	sld [smem:$0x3FAE]  }
0x29: {  	s4 =	sld [smem:$0x3FB0]  }
0x2a: {  	p0 =	seq.s32 s5, $0x0;
	s5 =	sld [smem:$0x3FB1]  }
0x2b: {  	s6 =	sld [smem:$0x3FB2]  }
0x2c: {  	s7 =	sld [smem:$0x3FB3]  }
0x2d: {  	s3 =	simm.s32 $0x108;
	s8 =	sld [smem:$0x3FB4]  }
0x2e: {  	s3 =	simm.s32 @!p0 $0x1082;
	s9 =	sld [smem:$0x3FB5]  }
0x2f: {  	lr =	sadd.s32 s0, s3;
	s0 =	sld [smem:$0x3FAC]  }
0x30: {  	s3 =	sld [smem:$0x3FAF]  }
0x31: {  	[smem:$0x3FB8] =	sst s10  }
0x32: {  	s10 =	sld [smem:$0x3FB6];
	_ =	sdelay $0x3  }
0x33: {  	p0 =	seq.s32 s10, $0x1;
	s10 =	sld [smem:$0x3FB8];
	_ =	sdelay $0x3  }
0x34: {  	[smem:$0x3FB8] =	sst s10  }
0x35: {  	s10 =	sld [smem:$0x3FB7];
	_ =	sdelay $0x3  }
0x36: {  	p1 =	seq.s32 s10, $0x1;
	s10 =	sld [smem:$0x3FB8];
	_ =	sdelay $0x3  }
0x37: {  	[smem:$0x3FB8] =	sst s10  }
0x38: {  	s10 =	sld [smem:$0x3FB9]  }
0x39: {  	_ = 	snop;
	(pc) =	sbr.ind lr, $3  }
0x3a: {  	_ = 	snop  }
0x3b: {  	_ = 	snop  }
0x3c: {  	p2 =	seq.s32 s10, $0x1;
	s10 =	sld [smem:$0x3FB8]  }
0x3d: {  	_ =	shalt  }
0x3e: {  	_ =	shalt  }
0x3f: {  	_ =	shalt  }
0x40: {  	_ =	shalt  }
0x41: {  	_ =	shalt  }
0x42: {  	_ =	shalt  }
0x43: {  	_ =	shalt  }
0x44: {  	_ =	shalt  }
0x45: {  	_ =	shalt  }
0x46: {  	_ =	shalt  }
0x47: {  	_ =	shalt  }
0x48: {  	_ =	shalt  }
0x49: {  	_ =	shalt  }
0x4a: {  	_ =	shalt  }
0x4b: {  	_ =	shalt  }
0x4c: {  	_ =	shalt  }
0x4d: {  	_ =	shalt  }
0x4e: {  	_ =	shalt  }
0x4f: {  	_ =	shalt  }
0x50: {  	_ =	shalt  }
0x51: {  	_ =	shalt  }
0x52: {  	_ =	shalt  }
0x53: {  	_ =	shalt  }
0x54: {  	_ =	shalt  }
0x55: {  	_ =	shalt  }
0x56: {  	_ =	shalt  }
0x57: {  	_ =	shalt  }
0x58: {  	_ =	shalt  }
0x59: {  	_ =	shalt  }
0x5a: {  	_ =	shalt  }
0x5b: {  	_ =	shalt  }
0x5c: {  	_ =	shalt  }
0x5d: {  	_ =	shalt  }
0x5e: {  	_ =	shalt  }
0x5f: {  	_ =	shalt  }
0x60: {  	_ =	shalt  }
0x61: {  	_ =	shalt  }
0x62: {  	_ =	shalt  }
0x63: {  	_ =	shalt  }
0x64: {  	_ =	shalt  }
0x65: {  	_ =	shalt  }
0x66: {  	_ =	shalt  }
0x67: {  	_ =	shalt  }
0x68: {  	_ =	shalt  }
0x69: {  	_ =	shalt  }
0x6a: {  	_ =	shalt  }
0x6b: {  	_ =	shalt  }
0x6c: {  	_ =	shalt  }
0x6d: {  	_ =	shalt  }
0x6e: {  	_ =	shalt  }
0x6f: {  	_ =	shalt  }
0x70: {  	_ =	shalt  }
0x71: {  	_ =	shalt  }
0x72: {  	_ =	shalt  }
0x73: {  	_ =	shalt  }
0x74: {  	_ =	shalt  }
0x75: {  	_ =	shalt  }
0x76: {  	_ =	shalt  }
0x77: {  	_ =	shalt  }
0x78: {  	_ =	shalt  }
0x79: {  	_ =	shalt  }
0x7a: {  	_ =	shalt  }
0x7b: {  	_ =	shalt  }
0x7c: {  	_ =	shalt  }
0x7d: {  	_ =	shalt  }
0x7e: {  	_ =	shalt  }
0x7f: {  	_ =	shalt  }
0x80: {  	_ =	shalt  }
0x81: {  	_ =	shalt  }
0x82: {  	_ =	shalt  }
0x83: {  	_ =	shalt  }
0x84: {  	_ =	shalt  }
0x85: {  	_ =	shalt  }
0x86: {  	_ =	shalt  }
0x87: {  	_ =	shalt  }
.Lfunc_end0:
.L_simem_size_0:
called_computation_lowered:
.L_overlay_start_0:
0x88: {  	s2 =	sld [smem:$0x3FD9]  }
0x89: {  	s3 =	sld [smem:$0x3FFE];
	_ =	sdelay $0x1  }
0x8a: {  	s1 =	srdreg.scid  }
0x8b: {  	s0 =	sand.u32 $0x1, s1  }
0x8c: {  	s17 =	sshll.u32 s0, $0xA;
	s2 =	sadd.s32 s3, s2  }
0x8d: {  	s2 =	sadd.s32 s2, s17  }
0x8e: {  	[smem:$0x3FC4] =	sst s2  }
0x8f: {  	_ = 	snop  }
0x90: {  	s2 =	sld [smem:$0x3FC9]  }
0x91: {  	s18 =	sld [smem:$0x3FC7]  }
0x92: {  	s4 =	sld [smem:$0x3FC6]  }
0x93: {  	s5 =	sld [smem:$0x3FD0];
	(tm) =	ssettm $0x1  }
0x94: {  	s6 =	sld [smem:$0x3FFB];
	_ =	sdelay $0x3  }
0x95: {  	_ =	strace s6  }
0x96: {  	s6 =	sld [smem:$0x3FFC];
	_ =	sdelay $0x3  }
0x97: {  	_ =	strace s6  }
0x98: {  	s6 =	sld [smem:$0x3FFD];
	_ =	sdelay $0x3  }
0x99: {  	_ =	strace s6  }
0x9a: {  	_ =	strace $0x8FFFFFFF  }
0x9b: {  	s19 =	sld [smem:$0x3FDB];
	_ =	sdelay $0x1  }
0x9c: {  	s7 =	simm.s32 $_scs_section_size  }
0x9d: {  	s8 =	simm.s32 $_size__tile_overlayer_lowered;
	s9 =	simm.s32 $_tile_overlayer_lowered  }
0x9e: {  	s22 =	simm.s32 $0x1BFF;
	s21 =	sshll.u32 s9, $0x1;
	s6 =	sadd.s32 s7, s19  }
0x9f: {  	s10 =	simm.s32 $0x0;
	s20 =	sshll.u32 s8, $0x1;
	s8 =	sadd.s32 s21, s6  }
0xa0: {  	[timem:s10], [sflag:s22] =	dma.local [hbm:s8], s20  }
0xa1: {  	_ =	swait.ge [sflag:s22], s20  }
0xa2: {  	s7 =	ssub.s32 $0x0, s20;
	[sflag:s22] =	ssyncset.done $0x0  }
0xa3: {  	[sflag:s22] =	ssyncadd.s32 s7;
	_ =	sdelay $0x1  }
0xa4: {  	s23 =	simm.s32 $0x1B8B  }
0xa5: {  	_ =	swait.ge [sflag:s23], $0x1  }
0xa6: {  	[sflag:s23] =	ssyncset.done $0x0  }
0xa7: {  	s25 =	simm.s32 $0x1B8E;
	s24 =	sld [smem:$0x3FFE];
	[sflag:s23] =	ssyncadd.s32 $0xFFFFFFFF  }
0xa8: {  	s26 =	simm.s32 $execute0_lowered;
	[smem:$0x3FD2] =	sst s25  }
0xa9: {  	s8 =	sshll.u32 s26, $0x1;
	_ =	strace $0x80000046;
	[dreg:$0x1] =	wrdreg $0xFFFFFFFF  }
0xaa: {  	s28 =	simm.s32 $_size_execute0_lowered;
	s6 =	sadd.s32 s6, s8;
	[dreg:$0x0] =	wrdreg $0x0  }
0xab: {  	s8 =	sshll.u32 s28, $0x1;
	[dreg:$0x2] =	wrdreg s6  }
0xac: {  	[dreg:$0x3] =	wrdreg s8  }
0xad: {  	[dreg:$0x4] =	wrdreg $0xC0  }
0xae: {  	_ =	task [dreg:s10], $0x5FFFF  }
0xaf: {  	[dreg:$0x1] =	wrdreg $0xFFFFFFFF  }
0xb0: {  	[dreg:$0x0] =	wrdreg $0x60  }
0xb1: {  	[dreg:$0x2] =	wrdreg s2  }
0xb2: {  	[dreg:$0x3] =	wrdreg s18  }
0xb3: {  	[dreg:$0x4] =	wrdreg s4  }
0xb4: {  	[dreg:$0x5] =	wrdreg s5  }
0xb5: {  	[dreg:$0x6] =	wrdreg s24  }
0xb6: {  	[dreg:$0x7] =	wrdreg $0x9  }
0xb7: {  	_ =	task.clear_ibuf [dreg:s10], $0x8FFFF;
	_ =	strace $0x90000046  }
0xb8: {  	s29 =	simm.s32 $0x9;
	_ =	strace $0x80000048  }
0xb9: {  	_ =	swait.ge [sflag:s29], $0x1  }
0xba: {  	[sflag:s29] =	ssyncadd.s32 $0xFFFFFFFF  }
0xbb: {  	_ =	strace $0x90000048  }
0xbc: {  	_ =	sfence  }
0xbd: {  	s30 =	sld [smem:$0x0];
	_ =	sdelay $0x2  }
0xbe: {  	s31 =	sshll.u32 s1, $0xD;
	s1 =	sshrl.u32 s1, $0x2  }
0xbf: {  	s3 =	sand.u32 $0x4000, s31;
	s1 =	sadd.s32 s1, s30  }
0xc0: {  	s0 =	sor.u32 s3, s0;
	s1 =	sshll.u32 s1, $0x11  }
0xc1: {  	s0 =	sor.u32 s1, s0  }
0xc2: {  	s0 =	sadd.s32 $0x8F2B, s0  }
0xc3: {  	[sflag:s0] =	ssyncadd.remote.s32 $0x1  }
0xc4: {  	_ =	sfence.sel $0xFFFF  }
0xc5: {  	[dreg:$0x0] =	wrdreg $0xFFFFFFFF;
	(pc) =	sbr.abs _section_cstart, $3  }
0xc6: {  	[dreg:$0x1] =	wrdreg $0xFFFFFFFF  }
0xc7: {  	_ =	task.clear_ibuf [dreg:s10], $0x2FFFF;
	_ =	strace $0x9FFFFFFF  }
0xc8: {  	(tm) =	ssettm $0x7FFFFFFF  }
0xc9: {  	_ =	shalt  }
tec
execute0_lowered:
.L_overlay_start_1:
0x0: {  	(tag) =	ssettag $0x1  }
0x1: {  	s5 =	rddreg [dreg:$0x0]  }
0x2: {  	s1 =	rddreg [dreg:$0x1]  }
0x3: {  	s2 =	rddreg [dreg:$0x2]  }
0x4: {  	s6 =	rddreg [dreg:$0x3]  }
0x5: {  	s7 =	rddreg [dreg:$0x4]  }
0x6: {  	s0 =	rddreg [dreg:$0x5]  }
0x7: {  	s4 =	simm.s32 $0x0;
	s8 =	srdreg.scid;
	s3 =	stileid.u32  }
0x8: {  	s12 =	simm.s32 $0x8000;
	s13 =	simm.s32 $0xC000;
	s14 =	simm.s32 $0x0  }
0x9: {  	[smem:$0x7FF] =	sst s4;
	s8 =	sand.u32 $0x1, s8;
	s9 =	sshll.u32 s3, $0x1  }
0xa: {  	_ =	strace $0x80000047;
	s9 =	sor.u32 s8, s9;
	s8 =	ssub.s32 $0x2, s8  }
0xb: {  	s10 =	sshll.u32 s9, $0xB;
	s11 =	sshrl.u32 s8, $0x1;
	s9 =	sshll.u32 s9, $0xC  }
0xc: {  	s7 =	sadd.s32 s10, s7;
	s8 =	ssub.s32 s8, s11;
	s5 =	sadd.s32 s5, s9  }
0xd: {  	s6 =	sadd.s32 s6, s10;
	s9 =	simm.s32 $0x10000;
	s10 =	simm.s32 $0x1  }
0xe: {  	s11 =	simm.s32 $0x10400;
	s7 =	sadd.s32 $0xC00, s7;
	s8 =	smax.u32 s8, $0x1  }
.LBB2_1:
0xf: {  	[tilespmem:s9], [sflag:$0x1] =	stream.linear.gather [hbm4b:s1+s4], $0x400, $0x38;
	[tilespmem:$0x10800] =	vst v63  }
0x10: {  	_ =	swait.ge [sflag:s10], $0x400  }
0x11: {  	[sflag:s10] =	ssyncset.done $0x0  }
0x12: {  	[sflag:s10] =	ssyncadd.s32 $0xFFFFFC00  }
0x13: {  	[tilespmem:s11], [sflag:$0x1] =	stream.linear.gather [hbm4b:s2+s4], $0x400, $0x38;
	[tilespmem:$0x10800] =	vst v63  }
0x14: {  	_ =	swait.ge [sflag:s10], $0x400  }
0x15: {  	[sflag:s10] =	ssyncset.done $0x0  }
0x16: {  	[sflag:s10] =	ssyncadd.s32 $0xFFFFFC00  }
0x17: {  	[tilespmem:s4], [sflag:$0x1] =	stream.linear.gather [hbm4b:s5+s4], $0x8000, $0x38;
	[tilespmem:$0x10800] =	vst v63  }
0x18: {  	_ =	swait.ge [sflag:s10], $0x8000  }
0x19: {  	[sflag:s10] =	ssyncset.done $0x0  }
0x1a: {  	s16 =	simm.s32 $0xF0;
	[sflag:s10] =	ssyncadd.s32 $0xFFFF8000  }
0x1b: {  	s15 =	simm.s32 $0x1E0;
	v0 =	vld [tilespmem:s16+$0x80]  }
0x1c: {  	s17 =	sor.u32 $0x70, s15;
	v1 =	vld [tilespmem:s16+$0xFFFFFF20]  }
0x1d: {  	v2 =	vld [tilespmem:s17+$0x0]  }
0x1e: {  	v3 =	vld [tilespmem:s16+$0xFFFFFF30]  }
0x1f: {  	v4 =	vld [tilespmem:s16+$0xFFFFFF40]  }
0x20: {  	v5 =	vld [tilespmem:s16+$0xFFFFFF50]  }
0x21: {  	v6 =	vld [tilespmem:s16+$0xFFFFFF60]  }
0x22: {  	v7 =	vld [tilespmem:s16+$0xFFFFFF70]  }
0x23: {  	v8 =	vld [tilespmem:s16+$0xFFFFFF80]  }
0x24: {  	v9 =	vld [tilespmem:s16+$0x10]  }
0x25: {  	v11 =	vld [tilespmem:s16+$0x30]  }
0x26: {  	v12 =	vld [tilespmem:s16+$0x40]  }
0x27: {  	v13 =	vld [tilespmem:s16+$0x50]  }
0x28: {  	v14 =	vld [tilespmem:s16+$0x60]  }
0x29: {  	v15 =	vld [tilespmem:s16+$0xFFFFFF10]  }
0x2a: {  	v17 =	vld [tilespmem:s16+$0xFFFFFF90]  }
0x2b: {  	v18 =	vld [tilespmem:s16+$0xFFFFFFA0]  }
0x2c: {  	v19 =	vld [tilespmem:s16+$0xFFFFFFB0]  }
0x2d: {  	v20 =	vld [tilespmem:s16+$0xFFFFFFC0]  }
0x2e: {  	v21 =	vld [tilespmem:s16+$0xFFFFFFD0];
	v0 =	vmul.f32 $1.310720000e+05, v0  }
0x2f: {  	v22 =	vld [tilespmem:s16+$0xFFFFFFE0];
	v2 =	vmul.f32 $1.310720000e+05, v2;
	v1 =	vmul.f32 $1.310720000e+05, v1  }
0x30: {  	v23 =	vld [tilespmem:s16+$0xFFFFFFF0];
	v3 =	vmul.f32 $1.310720000e+05, v3;
	v4 =	vmul.f32 $1.310720000e+05, v4  }
0x31: {  	v24 =	vld [tilespmem:s16+$0x0];
	v5 =	vmul.f32 $1.310720000e+05, v5;
	v6 =	vmul.f32 $1.310720000e+05, v6  }
0x32: {  	v25 =	vld [tilespmem:s16+$0x90];
	v7 =	vmul.f32 $1.310720000e+05, v7;
	v8 =	vmul.f32 $1.310720000e+05, v8  }
0x33: {  	v26 =	vld [tilespmem:s16+$0xA0];
	v9 =	vmul.f32 $1.310720000e+05, v9;
	v11 =	vmul.f32 $1.310720000e+05, v11  }
0x34: {  	v27 =	vld [tilespmem:s16+$0xB0];
	v12 =	vmul.f32 $1.310720000e+05, v12;
	v13 =	vmul.f32 $1.310720000e+05, v13  }
0x35: {  	v28 =	vld [tilespmem:s16+$0xC0];
	v14 =	vmul.f32 $1.310720000e+05, v14;
	v15 =	vmul.f32 $1.310720000e+05, v15  }
0x36: {  	s31 =	simm.s32 $0x1C0;
	v29 =	vld [tilespmem:s16+$0xD0];
	v17 =	vmul.f32 $1.310720000e+05, v17;
	v18 =	vmul.f32 $1.310720000e+05, v18  }
0x37: {  	s17 =	sor.u32 $0x60, s31;
	v30 =	vld [tilespmem:s16+$0xE0];
	v19 =	vmul.f32 $1.310720000e+05, v19;
	v20 =	vmul.f32 $1.310720000e+05, v20  }
0x38: {  	v16 =	vld [tilespmem:s17+$0x0];
	v21 =	vmul.f32 $1.310720000e+05, v21;
	v22 =	vmul.f32 $1.310720000e+05, v22  }
0x39: {  	v23 =	vmul.f32 $1.310720000e+05, v23;
	v24 =	vmul.f32 $1.310720000e+05, v24  }
0x3a: {  	v25 =	vmul.f32 $1.310720000e+05, v25;
	v26 =	vmul.f32 $1.310720000e+05, v26  }
0x3b: {  	v27 =	vmul.f32 $1.310720000e+05, v27;
	v28 =	vmul.f32 $1.310720000e+05, v28  }
0x3c: {  	v29 =	vmul.f32 $1.310720000e+05, v29;
	v30 =	vmul.f32 $1.310720000e+05, v30  }
0x3d: {  	v16 =	vmul.f32 $1.310720000e+05, v16;
	v0 =	vmax.f32 v0, $0.0e+00;
	v2 =	vmax.f32 v2, $0.0e+00  }
0x3e: {  	v1 =	vmax.f32 v1, $0.0e+00;
	v3 =	vmax.f32 v3, $0.0e+00;
	v4 =	vmax.f32 v4, $0.0e+00  }
0x3f: {  	v5 =	vmax.f32 v5, $0.0e+00;
	v6 =	vmax.f32 v6, $0.0e+00;
	v8 =	vmax.f32 v8, $0.0e+00  }
0x40: {  	v9 =	vmax.f32 v9, $0.0e+00;
	v11 =	vmax.f32 v11, $0.0e+00;
	v12 =	vmax.f32 v12, $0.0e+00  }
0x41: {  	v13 =	vmax.f32 v13, $0.0e+00;
	v14 =	vmax.f32 v14, $0.0e+00;
	v15 =	vmax.f32 v15, $0.0e+00  }
0x42: {  	v17 =	vmax.f32 v17, $0.0e+00;
	v18 =	vmax.f32 v18, $0.0e+00;
	v20 =	vmax.f32 v20, $0.0e+00  }
0x43: {  	v21 =	vmax.f32 v21, $0.0e+00;
	v22 =	vmax.f32 v22, $0.0e+00;
	v23 =	vmax.f32 v23, $0.0e+00  }
0x44: {  	v24 =	vmax.f32 v24, $0.0e+00;
	v25 =	vmax.f32 v25, $0.0e+00;
	v26 =	vmax.f32 v26, $0.0e+00  }
0x45: {  	v27 =	vmax.f32 v27, $0.0e+00;
	v28 =	vmax.f32 v28, $0.0e+00;
	v29 =	vmax.f32 v29, $0.0e+00  }
0x46: {  	v0 =	vmin.f32 v0, $1.310710000e+05;
	v2 =	vmin.f32 v2, $1.310710000e+05;
	v1 =	vmin.f32 v1, $1.310710000e+05  }
0x47: {  	v3 =	vmin.f32 v3, $1.310710000e+05;
	v4 =	vmin.f32 v4, $1.310710000e+05;
	v5 =	vmin.f32 v5, $1.310710000e+05  }
0x48: {  	v6 =	vmin.f32 v6, $1.310710000e+05;
	v8 =	vmin.f32 v8, $1.310710000e+05;
	v15 =	vmin.f32 v15, $1.310710000e+05  }
0x49: {  	v9 =	vmin.f32 v9, $1.310710000e+05;
	v11 =	vmin.f32 v11, $1.310710000e+05;
	v12 =	vmin.f32 v12, $1.310710000e+05  }
0x4a: {  	v13 =	vmin.f32 v13, $1.310710000e+05;
	v14 =	vmin.f32 v14, $1.310710000e+05;
	v0 =	vtrunc.f32 v0  }
0x4b: {  	v17 =	vmin.f32 v17, $1.310710000e+05;
	v2 =	vtrunc.f32 v2;
	v15 =	vtrunc.f32 v15  }
0x4c: {  	v18 =	vmin.f32 v18, $1.310710000e+05;
	v1 =	vtrunc.f32 v1;
	v3 =	vtrunc.f32 v3  }
0x4d: {  	v20 =	vmin.f32 v20, $1.310710000e+05;
	v4 =	vtrunc.f32 v4;
	v5 =	vtrunc.f32 v5  }
0x4e: {  	v21 =	vmin.f32 v21, $1.310710000e+05;
	v6 =	vtrunc.f32 v6;
	v8 =	vtrunc.f32 v8  }
0x4f: {  	v22 =	vmin.f32 v22, $1.310710000e+05;
	v9 =	vtrunc.f32 v9;
	v11 =	vtrunc.f32 v11  }
0x50: {  	v23 =	vmin.f32 v23, $1.310710000e+05;
	v12 =	vtrunc.f32 v12;
	v13 =	vtrunc.f32 v13  }
0x51: {  	v24 =	vmin.f32 v24, $1.310710000e+05;
	v14 =	vtrunc.f32 v14;
	v17 =	vtrunc.f32 v17  }
0x52: {  	v25 =	vmin.f32 v25, $1.310710000e+05;
	v18 =	vtrunc.f32 v18;
	v20 =	vtrunc.f32 v20  }
0x53: {  	v26 =	vmin.f32 v26, $1.310710000e+05;
	v21 =	vtrunc.f32 v21;
	v22 =	vtrunc.f32 v22  }
0x54: {  	v27 =	vmin.f32 v27, $1.310710000e+05;
	v23 =	vtrunc.f32 v23;
	v24 =	vtrunc.f32 v24  }
0x55: {  	v28 =	vmin.f32 v28, $1.310710000e+05;
	v25 =	vtrunc.f32 v25;
	v26 =	vtrunc.f32 v26  }
0x56: {  	v29 =	vmin.f32 v29, $1.310710000e+05;
	v27 =	vtrunc.f32 v27;
	v28 =	vtrunc.f32 v28  }
0x57: {  	v29 =	vtrunc.f32 v29;
	v0 =	vcvt.f32.s32 v0  }
0x58: {  	v2 =	vcvt.f32.s32 v2;
	v15 =	vcvt.f32.s32 v15  }
0x59: {  	v19 =	vmax.f32 v19, $0.0e+00;
	v1 =	vcvt.f32.s32 v1;
	v3 =	vcvt.f32.s32 v3  }
0x5a: {  	v30 =	vmax.f32 v30, $0.0e+00;
	v4 =	vcvt.f32.s32 v4;
	v5 =	vcvt.f32.s32 v5  }
0x5b: {  	v16 =	vmax.f32 v16, $0.0e+00;
	v6 =	vcvt.f32.s32 v6;
	v8 =	vcvt.f32.s32 v8  }
0x5c: {  	v10 =	vld [tilespmem:s16+$0x20];
	v19 =	vmin.f32 v19, $1.310710000e+05;
	v9 =	vcvt.f32.s32 v9;
	v11 =	vcvt.f32.s32 v11  }
0x5d: {  	v16 =	vmin.f32 v16, $1.310710000e+05;
	v12 =	vcvt.f32.s32 v12;
	v13 =	vcvt.f32.s32 v13  }
0x5e: {  	v30 =	vmin.f32 v30, $1.310710000e+05;
	v14 =	vcvt.f32.s32 v14;
	v16 =	vtrunc.f32 v16  }
0x5f: {  	v0 =	vmul.u32 $0x1F, v0;
	v15 =	vmul.u32 $0x1F, v15;
	v31 =	vmul.u32 $0x1F, v1  }
0x60: {  	v1 =	vtrunc.f32 v19;
	v32 =	vmul.u32 $0x1F, v4;
	v33 =	vmul.u32 $0x1F, v5  }
0x61: {  	v0 =	vadd.s32 v2, v0;
	v2 =	vmax.f32 v7, $0.0e+00;
	v7 =	vmul.f32 $1.310720000e+05, v10;
	v10 =	vld [tilespmem:s16+$0x70]  }
0x62: {  	v34 =	vmul.u32 $0x1F, v6;
	v36 =	vmul.u32 $0x1F, v8;
	v0 =	vand.u32 $0x3FF, v0  }
0x63: {  	v37 =	vmul.u32 $0x1F, v9;
	v9 =	vtrunc.f32 v30;
	v2 =	vmin.f32 v2, $1.310710000e+05  }
0x64: {  	v38 =	vmul.u32 $0x1F, v11;
	v4 =	vcvt.f32.s32 v16;
	v2 =	vtrunc.f32 v2  }
0x65: {  	v6 =	vmul.u32 $0x1F, v12;
	v8 =	vcvt.f32.s32 v17;
	v2 =	vcvt.f32.s32 v2  }
0x66: {  	v5 =	vmul.u32 $0x1F, v14;
	v11 =	vcvt.f32.s32 v18;
	v10 =	vmul.f32 $1.310720000e+05, v10  }
0x67: {  	v12 =	vcvt.f32.s32 v20;
	v14 =	vcvt.f32.s32 v22;
	v35 =	vmul.u32 $0x1F, v2;
	v2 =	vld.idx.msk [tilespmem:v0+s9+$0x0], $0xffff  }
0x68: {  	v16 =	vcvt.f32.s32 v23;
	v17 =	vcvt.f32.s32 v24;
	v10 =	vmax.f32 v10, $0.0e+00  }
0x69: {  	v18 =	vcvt.f32.s32 v25;
	v7 =	vmax.f32 v7, $0.0e+00;
	v10 =	vmin.f32 v10, $1.310710000e+05  }
0x6a: {  	v22 =	vcvt.f32.s32 v27;
	v7 =	vmin.f32 v7, $1.310710000e+05;
	v10 =	vtrunc.f32 v10  }
0x6b: {  	s18 =	simm.s32 $0x8080;
	v19 =	vmul.u32 $0x1F, v3;
	v7 =	vtrunc.f32 v7;
	v10 =	vcvt.f32.s32 v10  }
0x6c: {  	v9 =	vcvt.f32.s32 v9;
	v20 =	vadd.s32 v14, v34;
	v7 =	vcvt.f32.s32 v7;
	[tilespmem:s18+$0x70] =	vst v2  }
0x6d: {  	v3 =	vmul.u32 $0x1F, v10;
	v10 =	vcvt.f32.s32 v1;
	v1 =	vadd.s32 v8, v15;
	v15 =	vld.idx.msk [tilespmem:v0+s11+$0x0], $0xffff  }
0x6e: {  	v17 =	vadd.s32 v17, v36;
	v18 =	vadd.s32 v18, v37;
	v63 =	vmul.u32 $0x1F, v7  }
0x6f: {  	v7 =	vmul.u32 $0x1F, v13;
	v13 =	vcvt.f32.s32 v21;
	v21 =	vcvt.f32.s32 v26  }
0x70: {  	v0 =	vadd.s32 v11, v31;
	v8 =	vadd.s32 v12, v32;
	v11 =	vcvt.f32.s32 v28  }
0x71: {  	s19 =	simm.s32 $0xC080;
	s20 =	simm.s32 $0x0;
	v12 =	vcvt.f32.s32 v29;
	v2 =	vadd.s32 v10, v19;
	v10 =	vadd.s32 v13, v33  }
0x72: {  	s21 =	simm.s32 $0x2F0;
	s17 =	simm.s32 $0x8080;
	s16 =	simm.s32 $0xC080;
	v19 =	vadd.s32 v16, v35;
	v16 =	vadd.s32 v21, v63;
	[tilespmem:s19+$0x70] =	vst v15;
	v15 =	vadd.s32 v22, v38  }
.LBB2_2:
0x73: {  	v21 =	vld [tilespmem:s21+$0x80];
	s20 =	sadd.s32 $0x100, s20;
	v22 =	vadd.s32 v11, v6;
	v23 =	vadd.s32 v12, v7;
	v24 =	vadd.s32 v9, v5;
	s15 =	sadd.s32 $0x200, s15  }
0x74: {  	v14 =	vand.u32 $0x3FF, v1;
	v13 =	vand.u32 $0x3FF, v0;
	v0 =	vadd.s32 v4, v3;
	v25 =	vld [tilespmem:s21+$0xFFFFFF20];
	s22 =	sadd.s32 $0xFFFFFFE0, s15;
	s23 =	sor.u32 $0x70, s15;
	p0 =	slt.u32 s20, $0x3F00  }
0x75: {  	v12 =	vand.u32 $0x3FF, v2;
	v11 =	vand.u32 $0x3FF, v8;
	v10 =	vand.u32 $0x3FF, v10;
	s22 =	sor.u32 $0x60, s22;
	v26 =	vld [tilespmem:s23+$0x0]  }
0x76: {  	v9 =	vand.u32 $0x3FF, v20;
	v8 =	vand.u32 $0x3FF, v19;
	v7 =	vand.u32 $0x3FF, v17;
	v27 =	vld [tilespmem:s21+$0xFFFFFF30]  }
0x77: {  	v6 =	vand.u32 $0x3FF, v18;
	v5 =	vand.u32 $0x3FF, v16;
	v4 =	vand.u32 $0x3FF, v15;
	v17 =	vld [tilespmem:s21+$0xFFFFFF40]  }
0x78: {  	v3 =	vand.u32 $0x3FF, v22;
	v2 =	vand.u32 $0x3FF, v23;
	v15 =	vld [tilespmem:s21+$0xFFFFFF50];
	v16 =	vmul.f32 $1.310720000e+05, v21  }
0x79: {  	v1 =	vand.u32 $0x3FF, v24;
	v0 =	vand.u32 $0x3FF, v0;
	v18 =	vmul.f32 $1.310720000e+05, v25;
	v19 =	vld [tilespmem:s21+$0xFFFFFF60]  }
0x7a: {  	v20 =	vld [tilespmem:s21+$0xFFFFFF70];
	v16 =	vmax.f32 v16, $0.0e+00;
	v21 =	vmul.f32 $1.310720000e+05, v26  }
0x7b: {  	v18 =	vmax.f32 v18, $0.0e+00;
	v22 =	vmul.f32 $1.310720000e+05, v27;
	v23 =	vld [tilespmem:s21+$0xFFFFFF80];
	v16 =	vmin.f32 v16, $1.310710000e+05  }
0x7c: {  	v17 =	vmul.f32 $1.310720000e+05, v17;
	v24 =	vld [tilespmem:s21+$0x10];
	v21 =	vmax.f32 v21, $0.0e+00;
	v16 =	vtrunc.f32 v16  }
0x7d: {  	v15 =	vmul.f32 $1.310720000e+05, v15;
	v25 =	vld [tilespmem:s21+$0x20];
	v21 =	vmin.f32 v21, $1.310710000e+05;
	v16 =	vcvt.f32.s32 v16  }
0x7e: {  	v22 =	vmax.f32 v22, $0.0e+00;
	v19 =	vmul.f32 $1.310720000e+05, v19;
	v26 =	vld [tilespmem:s21+$0x30];
	v21 =	vtrunc.f32 v21  }
0x7f: {  	v20 =	vmul.f32 $1.310720000e+05, v20;
	v27 =	vld [tilespmem:s21+$0x40];
	v21 =	vcvt.f32.s32 v21;
	v16 =	vmul.u32 $0x1F, v16  }
0x80: {  	v17 =	vmax.f32 v17, $0.0e+00;
	v15 =	vmax.f32 v15, $0.0e+00;
	v23 =	vmul.f32 $1.310720000e+05, v23;
	v28 =	vld [tilespmem:s21+$0x50]  }
0x81: {  	v19 =	vmax.f32 v19, $0.0e+00;
	v24 =	vmul.f32 $1.310720000e+05, v24;
	v29 =	vld [tilespmem:s21+$0x60];
	v16 =	vadd.s32 v21, v16  }
0x82: {  	v20 =	vmax.f32 v20, $0.0e+00;
	v21 =	vmul.f32 $1.310720000e+05, v25;
	v25 =	vld [tilespmem:s21+$0x70];
	v16 =	vand.u32 $0x3FF, v16  }
0x83: {  	v23 =	vmax.f32 v23, $0.0e+00;
	v30 =	vld [tilespmem:s21+$0xFFFFFF10];
	v24 =	vmax.f32 v24, $0.0e+00;
	v26 =	vmul.f32 $1.310720000e+05, v26  }
0x84: {  	v18 =	vmin.f32 v18, $1.310710000e+05;
	v21 =	vmax.f32 v21, $0.0e+00;
	v27 =	vmul.f32 $1.310720000e+05, v27;
	v31 =	vld [tilespmem:s22+$0x0]  }
0x85: {  	v22 =	vmin.f32 v22, $1.310710000e+05;
	v32 =	vld [tilespmem:s21+$0xFFFFFF90];
	v26 =	vmax.f32 v26, $0.0e+00;
	v28 =	vmul.f32 $1.310720000e+05, v28  }
0x86: {  	v17 =	vmin.f32 v17, $1.310710000e+05;
	v33 =	vld [tilespmem:s21+$0xFFFFFFA0];
	v27 =	vmax.f32 v27, $0.0e+00;
	v29 =	vmul.f32 $1.310720000e+05, v29  }
0x87: {  	v15 =	vmin.f32 v15, $1.310710000e+05;
	v28 =	vmax.f32 v28, $0.0e+00;
	v25 =	vmul.f32 $1.310720000e+05, v25;
	v34 =	vld.idx.msk [tilespmem:v16+s9+$0x0], $0xffff  }
0x88: {  	v19 =	vmin.f32 v19, $1.310710000e+05;
	v30 =	vmul.f32 $1.310720000e+05, v30;
	v35 =	vld [tilespmem:s21+$0xFFFFFFB0];
	v29 =	vmax.f32 v29, $0.0e+00  }
0x89: {  	v20 =	vmin.f32 v20, $1.310710000e+05;
	v36 =	vld [tilespmem:s21+$0xFFFFFFC0];
	v25 =	vmax.f32 v25, $0.0e+00;
	v31 =	vmul.f32 $1.310720000e+05, v31  }
0x8a: {  	v23 =	vmin.f32 v23, $1.310710000e+05;
	v30 =	vmax.f32 v30, $0.0e+00;
	v32 =	vmul.f32 $1.310720000e+05, v32;
	v37 =	vld [tilespmem:s21+$0xFFFFFFD0]  }
0x8b: {  	v24 =	vmin.f32 v24, $1.310710000e+05;
	v30 =	vmin.f32 v30, $1.310710000e+05;
	v33 =	vmul.f32 $1.310720000e+05, v33;
	v38 =	vld [tilespmem:s21+$0xFFFFFFE0]  }
0x8c: {  	s18 =	sadd.s32 $0x100, s18;
	v21 =	vmin.f32 v21, $1.310710000e+05;
	v26 =	vmin.f32 v26, $1.310710000e+05;
	v27 =	vmin.f32 v27, $1.310710000e+05;
	v39 =	vld [tilespmem:s21+$0xFFFFFFF0]  }
0x8d: {  	v28 =	vmin.f32 v28, $1.310710000e+05;
	v29 =	vmin.f32 v29, $1.310710000e+05;
	v35 =	vmul.f32 $1.310720000e+05, v35;
	v40 =	vld [tilespmem:s21+$0x0];
	[tilespmem:s18+$0x70] =	vst v34  }
0x8e: {  	v25 =	vmin.f32 v25, $1.310710000e+05;
	v30 =	vtrunc.f32 v30;
	v34 =	vmul.f32 $1.310720000e+05, v36;
	v16 =	vld.idx.msk [tilespmem:v16+s11+$0x0], $0xffff  }
0x8f: {  	v18 =	vtrunc.f32 v18;
	v31 =	vmax.f32 v31, $0.0e+00;
	v36 =	vmul.f32 $1.310720000e+05, v37;
	v37 =	vld [tilespmem:s21+$0x90]  }
0x90: {  	v22 =	vtrunc.f32 v22;
	v32 =	vmax.f32 v32, $0.0e+00;
	v38 =	vmul.f32 $1.310720000e+05, v38;
	v41 =	vld [tilespmem:s21+$0xA0]  }
0x91: {  	v17 =	vtrunc.f32 v17;
	v33 =	vmax.f32 v33, $0.0e+00;
	v39 =	vmul.f32 $1.310720000e+05, v39;
	v42 =	vld [tilespmem:s21+$0xB0]  }
0x92: {  	v15 =	vtrunc.f32 v15;
	v35 =	vmax.f32 v35, $0.0e+00;
	v40 =	vmul.f32 $1.310720000e+05, v40;
	v43 =	vld [tilespmem:s21+$0xC0]  }
0x93: {  	s19 =	sadd.s32 $0x100, s19;
	v19 =	vtrunc.f32 v19;
	v20 =	vtrunc.f32 v20;
	v34 =	vmax.f32 v34, $0.0e+00;
	v44 =	vld [tilespmem:s21+$0xD0]  }
0x94: {  	v23 =	vtrunc.f32 v23;
	v36 =	vmax.f32 v36, $0.0e+00;
	v37 =	vmul.f32 $1.310720000e+05, v37;
	v45 =	vld [tilespmem:s21+$0xE0];
	[tilespmem:s19+$0x70] =	vst v16  }
0x95: {  	v24 =	vtrunc.f32 v24;
	v16 =	vmax.f32 v38, $0.0e+00;
	v38 =	vmul.f32 $1.310720000e+05, v41;
	v41 =	vld.idx.msk [tilespmem:v14+s9+$0x0], $0xffff  }
0x96: {  	v21 =	vtrunc.f32 v21;
	v39 =	vmax.f32 v39, $0.0e+00;
	v42 =	vmul.f32 $1.310720000e+05, v42;
	v46 =	vld.idx.msk [tilespmem:v13+s9+$0x0], $0xffff  }
0x97: {  	v26 =	vtrunc.f32 v26;
	v40 =	vmax.f32 v40, $0.0e+00;
	v43 =	vmul.f32 $1.310720000e+05, v43;
	v47 =	vld.idx.msk [tilespmem:v12+s9+$0x0], $0xffff  }
0x98: {  	v27 =	vtrunc.f32 v27;
	v37 =	vmax.f32 v37, $0.0e+00;
	v44 =	vmul.f32 $1.310720000e+05, v44;
	v48 =	vld.idx.msk [tilespmem:v11+s9+$0x0], $0xffff  }
0x99: {  	v28 =	vtrunc.f32 v28;
	v38 =	vmax.f32 v38, $0.0e+00;
	v45 =	vmul.f32 $1.310720000e+05, v45;
	v49 =	vld.idx.msk [tilespmem:v10+s9+$0x0], $0xffff  }
0x9a: {  	v29 =	vtrunc.f32 v29;
	v25 =	vtrunc.f32 v25;
	v42 =	vmax.f32 v42, $0.0e+00;
	v50 =	vld.idx.msk [tilespmem:v9+s9+$0x0], $0xffff  }
0x9b: {  	v43 =	vmax.f32 v43, $0.0e+00;
	v44 =	vmax.f32 v44, $0.0e+00;
	v45 =	vmax.f32 v45, $0.0e+00;
	[tilespmem:s17+$0xFFFFFF80] =	vst v41;
	v41 =	vld.idx.msk [tilespmem:v8+s9+$0x0], $0xffff  }
0x9c: {  	v18 =	vcvt.f32.s32 v18;
	v31 =	vmin.f32 v31, $1.310710000e+05;
	v30 =	vcvt.f32.s32 v30;
	[tilespmem:s17+$0xFFFFFF90] =	vst v46;
	v46 =	vld.idx.msk [tilespmem:v7+s9+$0x0], $0xffff  }
0x9d: {  	v22 =	vcvt.f32.s32 v22;
	v17 =	vcvt.f32.s32 v17;
	v32 =	vmin.f32 v32, $1.310710000e+05;
	[tilespmem:s17+$0xFFFFFFA0] =	vst v47;
	v47 =	vld.idx.msk [tilespmem:v6+s9+$0x0], $0xffff  }
0x9e: {  	v15 =	vcvt.f32.s32 v15;
	v19 =	vcvt.f32.s32 v19;
	v33 =	vmin.f32 v33, $1.310710000e+05;
	[tilespmem:s17+$0xFFFFFFB0] =	vst v48;
	v48 =	vld.idx.msk [tilespmem:v5+s9+$0x0], $0xffff  }
0x9f: {  	v20 =	vcvt.f32.s32 v20;
	v23 =	vcvt.f32.s32 v23;
	v35 =	vmin.f32 v35, $1.310710000e+05;
	[tilespmem:s17+$0xFFFFFFC0] =	vst v49;
	v49 =	vld.idx.msk [tilespmem:v4+s9+$0x0], $0xffff  }
0xa0: {  	v24 =	vcvt.f32.s32 v24;
	v21 =	vcvt.f32.s32 v21;
	v34 =	vmin.f32 v34, $1.310710000e+05;
	[tilespmem:s17+$0xFFFFFFD0] =	vst v50;
	v50 =	vld.idx.msk [tilespmem:v3+s9+$0x0], $0xffff  }
0xa1: {  	v26 =	vcvt.f32.s32 v26;
	v27 =	vcvt.f32.s32 v27;
	v36 =	vmin.f32 v36, $1.310710000e+05;
	[tilespmem:s17+$0xFFFFFFE0] =	vst v41;
	v41 =	vld.idx.msk [tilespmem:v2+s9+$0x0], $0xffff  }
0xa2: {  	v28 =	vcvt.f32.s32 v28;
	v29 =	vcvt.f32.s32 v29;
	v16 =	vmin.f32 v16, $1.310710000e+05;
	[tilespmem:s17+$0xFFFFFFF0] =	vst v46;
	v46 =	vld.idx.msk [tilespmem:v1+s9+$0x0], $0xffff  }
0xa3: {  	v25 =	vcvt.f32.s32 v25;
	v39 =	vmin.f32 v39, $1.310710000e+05;
	v40 =	vmin.f32 v40, $1.310710000e+05;
	[tilespmem:s17+$0x0] =	vst v47;
	v47 =	vld.idx.msk [tilespmem:v0+s9+$0x0], $0xffff  }
0xa4: {  	v37 =	vmin.f32 v37, $1.310710000e+05;
	v38 =	vmin.f32 v38, $1.310710000e+05;
	v42 =	vmin.f32 v42, $1.310710000e+05;
	v14 =	vld.idx.msk [tilespmem:v14+s11+$0x0], $0xffff;
	[tilespmem:s17+$0x10] =	vst v48  }
0xa5: {  	v43 =	vmin.f32 v43, $1.310710000e+05;
	v44 =	vmin.f32 v44, $1.310710000e+05;
	v45 =	vmin.f32 v45, $1.310710000e+05;
	v13 =	vld.idx.msk [tilespmem:v13+s11+$0x0], $0xffff;
	[tilespmem:s17+$0x20] =	vst v49  }
0xa6: {  	v31 =	vtrunc.f32 v31;
	v32 =	vtrunc.f32 v32;
	v30 =	vmul.u32 $0x1F, v30;
	v12 =	vld.idx.msk [tilespmem:v12+s11+$0x0], $0xffff;
	[tilespmem:s17+$0x30] =	vst v50  }
0xa7: {  	v18 =	vmul.u32 $0x1F, v18;
	v33 =	vtrunc.f32 v33;
	v35 =	vtrunc.f32 v35;
	v11 =	vld.idx.msk [tilespmem:v11+s11+$0x0], $0xffff;
	[tilespmem:s17+$0x40] =	vst v41  }
0xa8: {  	v22 =	vmul.u32 $0x1F, v22;
	v34 =	vtrunc.f32 v34;
	v36 =	vtrunc.f32 v36;
	v10 =	vld.idx.msk [tilespmem:v10+s11+$0x0], $0xffff;
	[tilespmem:s17+$0x50] =	vst v46  }
0xa9: {  	v17 =	vmul.u32 $0x1F, v17;
	v39 =	vtrunc.f32 v39;
	v16 =	vtrunc.f32 v16;
	v9 =	vld.idx.msk [tilespmem:v9+s11+$0x0], $0xffff;
	[tilespmem:s17+$0x60] =	vst v47;
	s17 =	smov.u32 s18  }
0xaa: {  	v15 =	vmul.u32 $0x1F, v15;
	v40 =	vtrunc.f32 v40;
	v37 =	vtrunc.f32 v37;
	[tilespmem:s16+$0xFFFFFF80] =	vst v14;
	v8 =	vld.idx.msk [tilespmem:v8+s11+$0x0], $0xffff  }
0xab: {  	v14 =	vmul.u32 $0x1F, v19;
	v19 =	vtrunc.f32 v38;
	v38 =	vtrunc.f32 v42;
	[tilespmem:s16+$0xFFFFFF90] =	vst v13;
	v13 =	vld.idx.msk [tilespmem:v7+s11+$0x0], $0xffff  }
0xac: {  	v41 =	vmul.u32 $0x1F, v20;
	v20 =	vtrunc.f32 v43;
	v42 =	vtrunc.f32 v44;
	[tilespmem:s16+$0xFFFFFFA0] =	vst v12;
	v12 =	vld.idx.msk [tilespmem:v6+s11+$0x0], $0xffff  }
0xad: {  	v23 =	vmul.u32 $0x1F, v23;
	v24 =	vmul.u32 $0x1F, v24;
	v43 =	vtrunc.f32 v45;
	[tilespmem:s16+$0xFFFFFFB0] =	vst v11;
	v11 =	vld.idx.msk [tilespmem:v5+s11+$0x0], $0xffff  }
0xae: {  	v21 =	vmul.u32 $0x1F, v21;
	v26 =	vmul.u32 $0x1F, v26;
	v6 =	vmul.u32 $0x1F, v27;
	[tilespmem:s16+$0xFFFFFFC0] =	vst v10;
	v10 =	vld.idx.msk [tilespmem:v4+s11+$0x0], $0xffff  }
0xaf: {  	v7 =	vmul.u32 $0x1F, v28;
	v5 =	vmul.u32 $0x1F, v29;
	v4 =	vcvt.f32.s32 v31;
	[tilespmem:s16+$0xFFFFFFD0] =	vst v9;
	v9 =	vld.idx.msk [tilespmem:v3+s11+$0x0], $0xffff  }
0xb0: {  	v28 =	vcvt.f32.s32 v33;
	v27 =	vcvt.f32.s32 v32;
	v3 =	vmul.u32 $0x1F, v25;
	[tilespmem:s16+$0xFFFFFFE0] =	vst v8;
	v25 =	vld.idx.msk [tilespmem:v2+s11+$0x0], $0xffff  }
0xb1: {  	v2 =	vcvt.f32.s32 v35;
	v8 =	vcvt.f32.s32 v34;
	[tilespmem:s16+$0xFFFFFFF0] =	vst v13;
	v13 =	vld.idx.msk [tilespmem:v1+s11+$0x0], $0xffff  }
0xb2: {  	v16 =	vcvt.f32.s32 v16;
	v1 =	vadd.s32 v27, v30;
	v27 =	vcvt.f32.s32 v36;
	[tilespmem:s16+$0x0] =	vst v12;
	v29 =	vld.idx.msk [tilespmem:v0+s11+$0x0], $0xffff  }
0xb3: {  	v0 =	vadd.s32 v28, v18;
	v18 =	vcvt.f32.s32 v39;
	v28 =	vcvt.f32.s32 v40;
	[tilespmem:s16+$0x10] =	vst v11  }
.Ltmp0:
0xb4: {  	v30 =	vcvt.f32.s32 v19;
	v2 =	vadd.s32 v2, v22;
	v22 =	vcvt.f32.s32 v37;
	[tilespmem:s16+$0x20] =	vst v10;
	(pc) =	sbr.rel @p0 .LBB2_2-.Ltmp0, $4  }
0xb5: {  	v31 =	vcvt.f32.s32 v38;
	v8 =	vadd.s32 v8, v17;
	v11 =	vcvt.f32.s32 v20;
	[tilespmem:s16+$0x30] =	vst v9  }
0xb6: {  	v12 =	vcvt.f32.s32 v42;
	v10 =	vadd.s32 v27, v15;
	v9 =	vcvt.f32.s32 v43;
	[tilespmem:s16+$0x40] =	vst v25  }
0xb7: {  	v20 =	vadd.s32 v16, v14;
	v19 =	vadd.s32 v18, v41;
	v17 =	vadd.s32 v28, v23;
	[tilespmem:s16+$0x50] =	vst v13  }
0xb8: {  	s21 =	sadd.s32 $0x200, s21;
	v16 =	vadd.s32 v30, v21;
	v18 =	vadd.s32 v22, v24;
	v15 =	vadd.s32 v31, v26;
	[tilespmem:s16+$0x60] =	vst v29;
	s16 =	smov.u32 s19  }
0xb9: {  	v1 =	vand.u32 $0x3FF, v1  }
0xba: {  	v0 =	vand.u32 $0x3FF, v0  }
0xbb: {  	v2 =	vand.u32 $0x3FF, v2  }
0xbc: {  	v8 =	vand.u32 $0x3FF, v8  }
0xbd: {  	v10 =	vand.u32 $0x3FF, v10  }
0xbe: {  	v13 =	vand.u32 $0x3FF, v20;
	v14 =	vld.idx.msk [tilespmem:v1+s9+$0x0], $0xffff  }
0xbf: {  	v19 =	vand.u32 $0x3FF, v19;
	v40 =	vld.idx.msk [tilespmem:v0+s9+$0x0], $0xffff  }
0xc0: {  	v17 =	vand.u32 $0x3FF, v17;
	v21 =	vld.idx.msk [tilespmem:v2+s9+$0x0], $0xffff  }
0xc1: {  	v18 =	vand.u32 $0x3FF, v18;
	v22 =	vld.idx.msk [tilespmem:v8+s9+$0x0], $0xffff  }
0xc2: {  	v16 =	vand.u32 $0x3FF, v16;
	v23 =	vld.idx.msk [tilespmem:v10+s9+$0x0], $0xffff  }
0xc3: {  	v6 =	vadd.s32 v11, v6;
	v41 =	vand.u32 $0x3FF, v15;
	v42 =	vld.idx.msk [tilespmem:v13+s9+$0x0], $0xffff;
	[tilespmem:s17+$0xFFFFFF80] =	vst v14  }
0xc4: {  	v7 =	vadd.s32 v12, v7;
	v6 =	vand.u32 $0x3FF, v6;
	v43 =	vld.idx.msk [tilespmem:v19+s9+$0x0], $0xffff;
	[tilespmem:s17+$0xFFFFFF90] =	vst v40  }
0xc5: {  	v5 =	vadd.s32 v9, v5;
	v7 =	vand.u32 $0x3FF, v7;
	v44 =	vld.idx.msk [tilespmem:v17+s9+$0x0], $0xffff;
	[tilespmem:s17+$0xFFFFFFA0] =	vst v21  }
0xc6: {  	v3 =	vadd.s32 v4, v3;
	v45 =	vand.u32 $0x3FF, v5;
	v46 =	vld.idx.msk [tilespmem:v18+s9+$0x0], $0xffff;
	[tilespmem:s17+$0xFFFFFFB0] =	vst v22  }
0xc7: {  	v3 =	vand.u32 $0x3FF, v3;
	v47 =	vld.idx.msk [tilespmem:v16+s9+$0x0], $0xffff;
	[tilespmem:s17+$0xFFFFFFC0] =	vst v23  }
0xc8: {  	v48 =	vld.idx.msk [tilespmem:v41+s9+$0x0], $0xffff;
	[tilespmem:s17+$0xFFFFFFD0] =	vst v42  }
0xc9: {  	v49 =	vld.idx.msk [tilespmem:v6+s9+$0x0], $0xffff;
	[tilespmem:s17+$0xFFFFFFE0] =	vst v43  }
0xca: {  	v50 =	vld.idx.msk [tilespmem:v7+s9+$0x0], $0xffff;
	[tilespmem:s17+$0xFFFFFFF0] =	vst v44  }
0xcb: {  	v51 =	vld.idx.msk [tilespmem:v45+s9+$0x0], $0xffff;
	[tilespmem:s17+$0x0] =	vst v46  }
0xcc: {  	v52 =	vld.idx.msk [tilespmem:v3+s9+$0x0], $0xffff;
	[tilespmem:s17+$0x10] =	vst v47  }
0xcd: {  	[tilespmem:s17+$0x20] =	vst v48;
	v1 =	vld.idx.msk [tilespmem:v1+s11+$0x0], $0xffff  }
0xce: {  	v0 =	vld.idx.msk [tilespmem:v0+s11+$0x0], $0xffff;
	[tilespmem:s17+$0x30] =	vst v49  }
0xcf: {  	v2 =	vld.idx.msk [tilespmem:v2+s11+$0x0], $0xffff;
	[tilespmem:s17+$0x40] =	vst v50  }
0xd0: {  	v8 =	vld.idx.msk [tilespmem:v8+s11+$0x0], $0xffff;
	[tilespmem:s17+$0x50] =	vst v51  }
0xd1: {  	v53 =	vld.idx.msk [tilespmem:v10+s11+$0x0], $0xffff;
	[tilespmem:s17+$0x60] =	vst v52  }
0xd2: {  	v54 =	vld.idx.msk [tilespmem:v13+s11+$0x0], $0xffff;
	[tilespmem:s16+$0xFFFFFF80] =	vst v1  }
0xd3: {  	v55 =	vld.idx.msk [tilespmem:v19+s11+$0x0], $0xffff;
	[tilespmem:s16+$0xFFFFFF90] =	vst v0  }
0xd4: {  	v56 =	vld.idx.msk [tilespmem:v17+s11+$0x0], $0xffff;
	[tilespmem:s16+$0xFFFFFFA0] =	vst v2  }
0xd5: {  	v57 =	vld.idx.msk [tilespmem:v18+s11+$0x0], $0xffff;
	[tilespmem:s16+$0xFFFFFFB0] =	vst v8  }
0xd6: {  	v58 =	vld.idx.msk [tilespmem:v16+s11+$0x0], $0xffff;
	[tilespmem:s16+$0xFFFFFFC0] =	vst v53  }
0xd7: {  	v59 =	vld.idx.msk [tilespmem:v41+s11+$0x0], $0xffff;
	[tilespmem:s16+$0xFFFFFFD0] =	vst v54  }
0xd8: {  	v60 =	vld.idx.msk [tilespmem:v6+s11+$0x0], $0xffff;
	[tilespmem:s16+$0xFFFFFFE0] =	vst v55  }
0xd9: {  	v61 =	vld.idx.msk [tilespmem:v7+s11+$0x0], $0xffff;
	[tilespmem:s16+$0xFFFFFFF0] =	vst v56  }
0xda: {  	v62 =	vld.idx.msk [tilespmem:v45+s11+$0x0], $0xffff;
	[tilespmem:s16+$0x0] =	vst v57  }
0xdb: {  	v63 =	vld.idx.msk [tilespmem:v3+s11+$0x0], $0xffff;
	[tilespmem:s16+$0x10] =	vst v58  }
0xdc: {  	[tilespmem:s16+$0x20] =	vst v59  }
0xdd: {  	[tilespmem:s16+$0x30] =	vst v60  }
0xde: {  	[tilespmem:s16+$0x40] =	vst v61  }
0xdf: {  	[tilespmem:s16+$0x50] =	vst v62  }
0xe0: {  	[tilespmem:s16+$0x60] =	vst v63  }
0xe1: {  	[hbm4b:s6+s4] =	stream.linear.scatter [tilespmem:s12], [sflag:$0x1], $0x4000, $0x38;
	[tilespmem:$0x10800] =	vst v63  }
0xe2: {  	s14 =	sadd.s32 $0x1, s14;
	_ =	swait.ge [sflag:s10], $0x4000  }
0xe3: {  	p0 =	sne.s32 s14, s8;
	[sflag:s10] =	ssyncset.done $0x0  }
.Ltmp1:
0xe4: {  	[sflag:s10] =	ssyncadd.s32 $0xFFFFC000;
	(pc) =	sbr.rel @p0 .LBB2_1-.Ltmp1, $4  }
0xe5: {  	[hbm4b:s7+s4] =	stream.linear.scatter [tilespmem:s13], [sflag:$0x1], $0x4000, $0x38;
	[tilespmem:$0x10800] =	vst v63  }
0xe6: {  	_ =	swait.ge [sflag:s10], $0x4000  }
0xe7: {  	[sflag:s10] =	ssyncset.done $0x0  }
0xe8: {  	[sflag:s10] =	ssyncadd.s32 $0xFFFFC000  }
0xe9: {  	_ =	sfence.sel $0x180000  }
0xea: {  	[bflag:$0x0] =	sbarrier.arrive $0xFFFF  }
0xeb: {  	p0 =	sne.s32 s3, $0x0;
	_ =	strace $0x90000047  }
0xec: {  	s0 =	sadd.s32 @!p0 $0x100000, s0;
	[bflag:$0x2] =	sbarrier.arrive $0xFFFF  }
0xed: {  	[sflag:s0] =	ssyncadd.tile.s32 @!p0 $0x1;
	_ =	shalt  }
.Lfunc_end2:
_tile_overlayer_lowered:
.L_overlay_start_2:
0xee: {  	(tag) =	ssettag $0x2  }
0xef: {  	s0 =	rddreg [dreg:$0x0];
	s2 =	stileid.u32  }
0xf0: {  	s1 =	rddreg [dreg:$0x1];
	p0 =	sne.s32 s2, $0x0  }
0xf1: {  	s3 =	rddreg [dreg:$0x2];
	[bflag:$0x3] =	sbarrier.arrive $0xFFFF;
	s2 =	simm.s32 @!p0 $0x1C01  }
0xf2: {  	[timem:s3], [sflag:s2] =	dma.local @!p0 [hbm:s0], s1  }
0xf3: {  	s0 =	simm.s32 @!p0 $0x1  }
0xf4: {  	_ =	swait.ge @!p0 [sflag:s0], s1  }
0xf5: {  	s1 =	ssub.s32 @!p0 $0x0, s1;
	[sflag:s0] =	ssyncset.done @!p0 $0x0  }
0xf6: {  	[sflag:s0] =	ssyncadd.s32 @!p0 s1  }
0xf7: {  	[bflag:$0x3] =	sbarrier.arrive $0xFFFF  }
0xf8: {  	_ =	shalt  }

</sc_bundles>
